<compile_context>
chip_gen: v7x
topology: tpu7x:2x2x1
jax: 0.10.2.dev20260603
libtpu: 0.0.44.dev20260713+nightly
codegen_flags: <defaults>
</compile_context>

<pallas_src>
import functools

import jax
import jax.numpy as jnp
from jax import lax
from jax.experimental import pallas as pl
from jax.experimental.pallas import tpu as pltpu
from jax.experimental.pallas import tpu_sc as plsc

NC = 2
NS = 16
NW = NC * NS
G = 128
NBUF = 2


@functools.partial(jax.jit, static_argnums=(2, 3))
def _gather_sc(g1, tables_flat, rows, d):
    ngroups = rows // G
    npw = ngroups // NW

    mesh = plsc.VectorSubcoreMesh(core_axis_name="c", subcore_axis_name="s")

    @functools.partial(
        pl.kernel,
        out_type=jax.ShapeDtypeStruct((rows, d), jnp.float32),
        mesh=mesh,
        compiler_params=pltpu.CompilerParams(use_tc_tiling_on_sc=False),
        scratch_types=[
            pltpu.VMEM((npw * G,), jnp.int32),
            pltpu.VMEM((NBUF, G, d), jnp.float32),
            pltpu.SemaphoreType.DMA,
            pltpu.SemaphoreType.DMA,
        ],
    )
    def sc_kernel(g_hbm, tab_hbm, out_hbm, idx_v, rows_v, sem0, sem1):
        sems = [sem0, sem1]
        wid = lax.axis_index("s") * NC + lax.axis_index("c")
        g0 = wid * npw

        pltpu.sync_copy(g_hbm.at[pl.ds(g0 * G, npw * G)], idx_v)

        for b in range(NBUF):
            pltpu.async_copy(
                tab_hbm.at[idx_v.at[pl.ds(b * G, G)]], rows_v.at[b], sems[b])

        @pl.loop(0, npw, step=NBUF)
        def _(j0):
            for b in range(NBUF):
                j = j0 + b
                pltpu.make_async_copy(
                    tab_hbm.at[idx_v.at[pl.ds(j * G, G)]],
                    rows_v.at[b], sems[b]).wait()
                pltpu.sync_copy(
                    rows_v.at[b], out_hbm.at[pl.ds((g0 + j) * G, G)])
                @pl.when(j + NBUF < npw)
                def _():
                    pltpu.async_copy(
                        tab_hbm.at[idx_v.at[pl.ds((j + NBUF) * G, G)]],
                        rows_v.at[b], sems[b])

    return sc_kernel(g1, tables_flat)


def kernel(indices, tables):
    f, b = indices.shape
    _, v, d = tables.shape
    rows = f * b
    assert rows % (NW * G) == 0

    tables_flat = tables.reshape(f * v, d)
    offs = (jnp.arange(f, dtype=jnp.int32) * v)[None, :]
    g1 = (indices.T + offs).reshape(rows)

    out = _gather_sc(g1, tables_flat, rows, d)
    return out.reshape(b, f, d)

# --- scband reference (transcript-rebuilt; emitter-appended) ---
"""Pipeline reference for scband-sparse-arch-9242769621983 (READ-ONLY COPY).

The authoritative reference and input builder live on the scoring server;
editing this copy changes nothing except your own understanding.
"""

import jax, jax.numpy as jnp
import numpy as np

F = 26        # number of sparse features / tables
B = 4096      # batch size (KJT stride)
V = 100000    # num_embeddings per table
D = 64        # embedding_dim


def setup_inputs(seed: int = 0) -> dict:
    key = jax.random.key(seed)
    k_idx, k_tab = jax.random.split(key)
    # One categorical id per feature per sample (bag length 1, DLRM/Criteo style).
    # Stored as [F, B]: row f holds the ids for feature f across the batch.
    indices = jax.random.randint(k_idx, (F, B), 0, V, dtype=jnp.int32)
    # Stacked embedding tables for the EmbeddingBagCollection: [F, V, D].
    tables = jax.random.normal(k_tab, (F, V, D), dtype=jnp.float32) * 0.01
    return {"indices": indices, "tables": tables}


def reference(indices, tables):
    # EmbeddingBagCollection with sum pooling over bags of length 1:
    # pooled embedding for (feature f, sample b) = tables[f, indices[f, b]].
    f_ids = jnp.arange(tables.shape[0])[:, None]          # [F, 1]
    emb = tables[f_ids, indices]                           # gather -> [F, B, D]
    # SparseArch concatenates per-feature pooled embeddings in feature-name
    # order along dim=1 then views as [B, F, D].
    out = jnp.transpose(emb, (1, 0, 2))                    # [B, F, D]
    return out

if __name__ == "__main__":
    import jax
    _d = setup_inputs()
    print(jax.jit(kernel)(*tuple(_d.values())))

</pallas_src>

<mosaic_0001>
#map = affine_map<(d0, d1) -> (0)>
#map1 = affine_map<(d0, d1) -> (0, 0)>
module attributes {stable_mosaic.version = 14 : i64} {
  func.func @sc_kernel(%arg0: i32, %arg1: i32, %arg2: memref<106496xi32, #tpu.memory_space<hbm>>, %arg3: memref<2600000x64xf32, #tpu.memory_space<hbm>>, %arg4: memref<106496x64xf32, #tpu.memory_space<hbm>>, %arg5: memref<3328xi32, #tpu.memory_space<vmem>>, %arg6: memref<2x128x64xf32, #tpu.memory_space<vmem>>, %arg7: memref<!tpu.dma_semaphore, #tpu.memory_space<semaphore_mem>>, %arg8: memref<!tpu.dma_semaphore, #tpu.memory_space<semaphore_mem>>) attributes {dimension_semantics = [#tpu.dimension_semantics<core_parallel>, #tpu.dimension_semantics<subcore_parallel>], iteration_bounds = array<i64: 2, 16>, scalar_prefetch = 0 : i64, scratch_operands = 4 : i64, tpu.core_type = #tpu.core_type<sc_vector_subcore>, window_params = [{transform_indices = #map}, {transform_indices = #map1}, {transform_indices = #map1}]} {
    %mul3A = arith.constant 2 : i32
    %mul3A_0 = arith.muli %arg1, %mul3A : i32
    %add3A = arith.addi %mul3A_0, %arg0 : i32
    %mul3A_1 = arith.constant 26 : i32
    %mul3A_2 = arith.muli %add3A, %mul3A_1 : i32
    %mul3A_3 = arith.constant 128 : i32
    %mul3A_4 = arith.muli %mul3A_2, %mul3A_3 : i32
    "tpu.region"() ({
      %run_scoped3A = tpu.sem_alloc : memref<!tpu.dma_semaphore, #tpu.memory_space<semaphore_mem>>
      %dma_start3A_28 = tpu.memref_slice %arg2[%mul3A_4] : memref<106496xi32, #tpu.memory_space<hbm>> -> memref<3328xi32, #tpu.memory_space<hbm>>
      %dma_start3A_29 = tpu.memref_slice %arg2[%mul3A_4] : memref<106496xi32, #tpu.memory_space<hbm>> -> memref<3328xi32, #tpu.memory_space<hbm>>
      tpu.enqueue_dma source(%dma_start3A_29 : memref<3328xi32, #tpu.memory_space<hbm>>) target(%arg5 : memref<3328xi32, #tpu.memory_space<vmem>>) target_semaphore(%run_scoped3A : memref<!tpu.dma_semaphore, #tpu.memory_space<semaphore_mem>>)
      %dma_wait3A = tpu.memref_slice %arg2[%mul3A_4] : memref<106496xi32, #tpu.memory_space<hbm>> -> memref<3328xi32, #tpu.memory_space<hbm>>
      %dma_wait3A_30 = tpu.memref_slice %arg2[%mul3A_4] : memref<106496xi32, #tpu.memory_space<hbm>> -> memref<3328xi32, #tpu.memory_space<hbm>>
      tpu.wait_dma2 semaphore(%run_scoped3A : memref<!tpu.dma_semaphore, #tpu.memory_space<semaphore_mem>>) src(%dma_wait3A_30 : memref<3328xi32, #tpu.memory_space<hbm>>) dst(%arg5 : memref<3328xi32, #tpu.memory_space<vmem>>)
      tpu.yield
    }) : () -> ()
    %dma_start3A = arith.constant 0 : i32
    %dma_start3A_5 = arith.constant 0 : i32
    %dma_start3A_6 = arith.constant 0 : i32
    %dma_start3A_7 = tpu.memref_slice %arg6[%dma_start3A, %dma_start3A_5, %dma_start3A_6] : memref<2x128x64xf32, #tpu.memory_space<vmem>> -> memref<1x128x64xf32, #tpu.memory_space<vmem>>
    %dma_start3A_8 = tpu.memref_squeeze %dma_start3A_7 : memref<1x128x64xf32, #tpu.memory_space<vmem>> -> memref<128x64xf32, #tpu.memory_space<vmem>>
    %dma_start3A_9 = arith.constant 0 : i32
    %dma_start3A_10 = tpu.memref_slice %arg5[%dma_start3A_9] : memref<3328xi32, #tpu.memory_space<vmem>> -> memref<128xi32, #tpu.memory_space<vmem>>
    %dma_start3A_11 = arith.constant 0 : i32
    %dma_start3A_12 = arith.constant 0 : i32
    %dma_start3A_13 = tpu.memref_slice %arg3[%dma_start3A_11, %dma_start3A_12] : memref<2600000x64xf32, #tpu.memory_space<hbm>> -> memref<2600000x64xf32, #tpu.memory_space<hbm>>
    tpu.enqueue_indirect_dma source(%dma_start3A_13 : memref<2600000x64xf32, #tpu.memory_space<hbm>>) target(%dma_start3A_8 : memref<128x64xf32, #tpu.memory_space<vmem>>) offsets(%dma_start3A_10 : memref<128xi32, #tpu.memory_space<vmem>>) semaphore(%arg7 : memref<!tpu.dma_semaphore, #tpu.memory_space<semaphore_mem>>)
    %dma_start3A_14 = arith.constant 1 : i32
    %dma_start3A_15 = arith.constant 0 : i32
    %dma_start3A_16 = arith.constant 0 : i32
    %dma_start3A_17 = tpu.memref_slice %arg6[%dma_start3A_14, %dma_start3A_15, %dma_start3A_16] : memref<2x128x64xf32, #tpu.memory_space<vmem>> -> memref<1x128x64xf32, #tpu.memory_space<vmem>>
    %dma_start3A_18 = tpu.memref_squeeze %dma_start3A_17 : memref<1x128x64xf32, #tpu.memory_space<vmem>> -> memref<128x64xf32, #tpu.memory_space<vmem>>
    %dma_start3A_19 = arith.constant 128 : i32
    %dma_start3A_20 = tpu.memref_slice %arg5[%dma_start3A_19] : memref<3328xi32, #tpu.memory_space<vmem>> -> memref<128xi32, #tpu.memory_space<vmem>>
    %dma_start3A_21 = arith.constant 0 : i32
    %dma_start3A_22 = arith.constant 0 : i32
    %dma_start3A_23 = tpu.memref_slice %arg3[%dma_start3A_21, %dma_start3A_22] : memref<2600000x64xf32, #tpu.memory_space<hbm>> -> memref<2600000x64xf32, #tpu.memory_space<hbm>>
    tpu.enqueue_indirect_dma source(%dma_start3A_23 : memref<2600000x64xf32, #tpu.memory_space<hbm>>) target(%dma_start3A_18 : memref<128x64xf32, #tpu.memory_space<vmem>>) offsets(%dma_start3A_20 : memref<128xi32, #tpu.memory_space<vmem>>) semaphore(%arg8 : memref<!tpu.dma_semaphore, #tpu.memory_space<semaphore_mem>>)
    %scan3A = arith.constant 0 : i32
    %scan3A_24 = arith.constant 13 : i32
    %scan3A_25 = arith.addi %scan3A, %scan3A_24 : i32
    %scan3A_26 = arith.constant 1 : i32
    scf.for %scan3A_28 = %scan3A to %scan3A_25 step %scan3A_26  : i32 {
      %mul3A_29 = arith.constant 2 : i32
      %mul3A_30 = arith.muli %scan3A_28, %mul3A_29 : i32
      %add3A_31 = arith.constant 0 : i32
      %add3A_32 = arith.addi %add3A_31, %mul3A_30 : i32
      %add3A_33 = arith.constant 0 : i32
      %add3A_34 = arith.addi %add3A_32, %add3A_33 : i32
      %mul3A_35 = arith.constant 128 : i32
      %mul3A_36 = arith.muli %add3A_34, %mul3A_35 : i32
      %dma_wait3A = arith.constant 0 : i32
      %dma_wait3A_37 = arith.constant 0 : i32
      %dma_wait3A_38 = arith.constant 0 : i32
      %dma_wait3A_39 = tpu.memref_slice %arg6[%dma_wait3A, %dma_wait3A_37, %dma_wait3A_38] : memref<2x128x64xf32, #tpu.memory_space<vmem>> -> memref<1x128x64xf32, #tpu.memory_space<vmem>>
      %dma_wait3A_40 = tpu.memref_squeeze %dma_wait3A_39 : memref<1x128x64xf32, #tpu.memory_space<vmem>> -> memref<128x64xf32, #tpu.memory_space<vmem>>
      %dma_wait3A_41 = tpu.memref_slice %arg5[%mul3A_36] : memref<3328xi32, #tpu.memory_space<vmem>> -> memref<128xi32, #tpu.memory_space<vmem>>
      %dma_wait3A_42 = arith.constant 0 : i32
      %dma_wait3A_43 = arith.constant 0 : i32
      %dma_wait3A_44 = tpu.memref_slice %arg3[%dma_wait3A_42, %dma_wait3A_43] : memref<2600000x64xf32, #tpu.memory_space<hbm>> -> memref<2600000x64xf32, #tpu.memory_space<hbm>>
      tpu.wait_indirect_dma semaphore(%arg7 : memref<!tpu.dma_semaphore, #tpu.memory_space<semaphore_mem>>) src(%dma_wait3A_44 : memref<2600000x64xf32, #tpu.memory_space<hbm>>) dst(%dma_wait3A_40 : memref<128x64xf32, #tpu.memory_space<vmem>>)
      %add3A_45 = arith.addi %mul3A_2, %add3A_34 : i32
      %mul3A_46 = arith.constant 128 : i32
      %mul3A_47 = arith.muli %add3A_45, %mul3A_46 : i32
      %run_scoped3A = arith.constant 0 : i32
      "tpu.region"() ({
        %run_scoped3A_76 = tpu.sem_alloc : memref<!tpu.dma_semaphore, #tpu.memory_space<semaphore_mem>>
        %dma_start3A_77 = arith.constant 0 : i32
        %dma_start3A_78 = arith.constant 0 : i32
        %dma_start3A_79 = tpu.memref_slice %arg6[%run_scoped3A, %dma_start3A_77, %dma_start3A_78] : memref<2x128x64xf32, #tpu.memory_space<vmem>> -> memref<1x128x64xf32, #tpu.memory_space<vmem>>
        %dma_start3A_80 = tpu.memref_squeeze %dma_start3A_79 : memref<1x128x64xf32, #tpu.memory_space<vmem>> -> memref<128x64xf32, #tpu.memory_space<vmem>>
        %dma_start3A_81 = arith.constant 0 : i32
        %dma_start3A_82 = tpu.memref_slice %arg4[%mul3A_47, %dma_start3A_81] : memref<106496x64xf32, #tpu.memory_space<hbm>> -> memref<128x64xf32, #tpu.memory_space<hbm>>
        %dma_start3A_83 = arith.constant 0 : i32
        %dma_start3A_84 = tpu.memref_slice %arg4[%mul3A_47, %dma_start3A_83] : memref<106496x64xf32, #tpu.memory_space<hbm>> -> memref<128x64xf32, #tpu.memory_space<hbm>>
        %dma_start3A_85 = arith.constant 0 : i32
        %dma_start3A_86 = arith.constant 0 : i32
        %dma_start3A_87 = tpu.memref_slice %arg6[%run_scoped3A, %dma_start3A_85, %dma_start3A_86] : memref<2x128x64xf32, #tpu.memory_space<vmem>> -> memref<1x128x64xf32, #tpu.memory_space<vmem>>
        %dma_start3A_88 = tpu.memref_squeeze %dma_start3A_87 : memref<1x128x64xf32, #tpu.memory_space<vmem>> -> memref<128x64xf32, #tpu.memory_space<vmem>>
        tpu.enqueue_dma source(%dma_start3A_88 : memref<128x64xf32, #tpu.memory_space<vmem>>) target(%dma_start3A_84 : memref<128x64xf32, #tpu.memory_space<hbm>>) target_semaphore(%run_scoped3A_76 : memref<!tpu.dma_semaphore, #tpu.memory_space<semaphore_mem>>)
        %dma_wait3A_89 = arith.constant 0 : i32
        %dma_wait3A_90 = arith.constant 0 : i32
        %dma_wait3A_91 = tpu.memref_slice %arg6[%run_scoped3A, %dma_wait3A_89, %dma_wait3A_90] : memref<2x128x64xf32, #tpu.memory_space<vmem>> -> memref<1x128x64xf32, #tpu.memory_space<vmem>>
        %dma_wait3A_92 = tpu.memref_squeeze %dma_wait3A_91 : memref<1x128x64xf32, #tpu.memory_space<vmem>> -> memref<128x64xf32, #tpu.memory_space<vmem>>
        %dma_wait3A_93 = arith.constant 0 : i32
        %dma_wait3A_94 = tpu.memref_slice %arg4[%mul3A_47, %dma_wait3A_93] : memref<106496x64xf32, #tpu.memory_space<hbm>> -> memref<128x64xf32, #tpu.memory_space<hbm>>
        %dma_wait3A_95 = arith.constant 0 : i32
        %dma_wait3A_96 = tpu.memref_slice %arg4[%mul3A_47, %dma_wait3A_95] : memref<106496x64xf32, #tpu.memory_space<hbm>> -> memref<128x64xf32, #tpu.memory_space<hbm>>
        %dma_wait3A_97 = arith.constant 0 : i32
        %dma_wait3A_98 = arith.constant 0 : i32
        %dma_wait3A_99 = tpu.memref_slice %arg6[%run_scoped3A, %dma_wait3A_97, %dma_wait3A_98] : memref<2x128x64xf32, #tpu.memory_space<vmem>> -> memref<1x128x64xf32, #tpu.memory_space<vmem>>
        %dma_wait3A_100 = tpu.memref_squeeze %dma_wait3A_99 : memref<1x128x64xf32, #tpu.memory_space<vmem>> -> memref<128x64xf32, #tpu.memory_space<vmem>>
        tpu.wait_dma2 semaphore(%run_scoped3A_76 : memref<!tpu.dma_semaphore, #tpu.memory_space<semaphore_mem>>) src(%dma_wait3A_100 : memref<128x64xf32, #tpu.memory_space<vmem>>) dst(%dma_wait3A_96 : memref<128x64xf32, #tpu.memory_space<hbm>>)
        tpu.yield
      }) : () -> ()
      %add3A_48 = arith.constant 2 : i32
      %add3A_49 = arith.addi %add3A_34, %add3A_48 : i32
      %lt3A = arith.constant 26 : i32
      %lt3A_50 = arith.cmpi slt, %add3A_49, %lt3A : i32
      %convert_element_type3A = arith.extui %lt3A_50 : i1 to i32
      %cond3A = arith.constant 0 : i32
      %cond3A_51 = arith.cmpi ne, %convert_element_type3A, %cond3A : i32
      scf.if %cond3A_51 {
        %add3A_76 = arith.constant 2 : i32
        %add3A_77 = arith.addi %add3A_34, %add3A_76 : i32
        %mul3A_78 = arith.constant 128 : i32
        %mul3A_79 = arith.muli %add3A_77, %mul3A_78 : i32
        %dma_start3A_80 = arith.constant 0 : i32
        %dma_start3A_81 = arith.constant 0 : i32
        %dma_start3A_82 = arith.constant 0 : i32
        %dma_start3A_83 = tpu.memref_slice %arg6[%dma_start3A_80, %dma_start3A_81, %dma_start3A_82] : memref<2x128x64xf32, #tpu.memory_space<vmem>> -> memref<1x128x64xf32, #tpu.memory_space<vmem>>
        %dma_start3A_84 = tpu.memref_squeeze %dma_start3A_83 : memref<1x128x64xf32, #tpu.memory_space<vmem>> -> memref<128x64xf32, #tpu.memory_space<vmem>>
        %dma_start3A_85 = tpu.memref_slice %arg5[%mul3A_79] : memref<3328xi32, #tpu.memory_space<vmem>> -> memref<128xi32, #tpu.memory_space<vmem>>
        %dma_start3A_86 = arith.constant 0 : i32
        %dma_start3A_87 = arith.constant 0 : i32
        %dma_start3A_88 = tpu.memref_slice %arg3[%dma_start3A_86, %dma_start3A_87] : memref<2600000x64xf32, #tpu.memory_space<hbm>> -> memref<2600000x64xf32, #tpu.memory_space<hbm>>
        tpu.enqueue_indirect_dma source(%dma_start3A_88 : memref<2600000x64xf32, #tpu.memory_space<hbm>>) target(%dma_start3A_84 : memref<128x64xf32, #tpu.memory_space<vmem>>) offsets(%dma_start3A_85 : memref<128xi32, #tpu.memory_space<vmem>>) semaphore(%arg7 : memref<!tpu.dma_semaphore, #tpu.memory_space<semaphore_mem>>)
      } else {
      }
      %add3A_52 = arith.constant 1 : i32
      %add3A_53 = arith.addi %add3A_32, %add3A_52 : i32
      %mul3A_54 = arith.constant 128 : i32
      %mul3A_55 = arith.muli %add3A_53, %mul3A_54 : i32
      %dma_wait3A_56 = arith.constant 1 : i32
      %dma_wait3A_57 = arith.constant 0 : i32
      %dma_wait3A_58 = arith.constant 0 : i32
      %dma_wait3A_59 = tpu.memref_slice %arg6[%dma_wait3A_56, %dma_wait3A_57, %dma_wait3A_58] : memref<2x128x64xf32, #tpu.memory_space<vmem>> -> memref<1x128x64xf32, #tpu.memory_space<vmem>>
      %dma_wait3A_60 = tpu.memref_squeeze %dma_wait3A_59 : memref<1x128x64xf32, #tpu.memory_space<vmem>> -> memref<128x64xf32, #tpu.memory_space<vmem>>
      %dma_wait3A_61 = tpu.memref_slice %arg5[%mul3A_55] : memref<3328xi32, #tpu.memory_space<vmem>> -> memref<128xi32, #tpu.memory_space<vmem>>
      %dma_wait3A_62 = arith.constant 0 : i32
      %dma_wait3A_63 = arith.constant 0 : i32
      %dma_wait3A_64 = tpu.memref_slice %arg3[%dma_wait3A_62, %dma_wait3A_63] : memref<2600000x64xf32, #tpu.memory_space<hbm>> -> memref<2600000x64xf32, #tpu.memory_space<hbm>>
      tpu.wait_indirect_dma semaphore(%arg8 : memref<!tpu.dma_semaphore, #tpu.memory_space<semaphore_mem>>) src(%dma_wait3A_64 : memref<2600000x64xf32, #tpu.memory_space<hbm>>) dst(%dma_wait3A_60 : memref<128x64xf32, #tpu.memory_space<vmem>>)
      %add3A_65 = arith.addi %mul3A_2, %add3A_53 : i32
      %mul3A_66 = arith.constant 128 : i32
      %mul3A_67 = arith.muli %add3A_65, %mul3A_66 : i32
      %run_scoped3A_68 = arith.constant 1 : i32
      "tpu.region"() ({
        %run_scoped3A_76 = tpu.sem_alloc : memref<!tpu.dma_semaphore, #tpu.memory_space<semaphore_mem>>
        %dma_start3A_77 = arith.constant 0 : i32
        %dma_start3A_78 = arith.constant 0 : i32
        %dma_start3A_79 = tpu.memref_slice %arg6[%run_scoped3A_68, %dma_start3A_77, %dma_start3A_78] : memref<2x128x64xf32, #tpu.memory_space<vmem>> -> memref<1x128x64xf32, #tpu.memory_space<vmem>>
        %dma_start3A_80 = tpu.memref_squeeze %dma_start3A_79 : memref<1x128x64xf32, #tpu.memory_space<vmem>> -> memref<128x64xf32, #tpu.memory_space<vmem>>
        %dma_start3A_81 = arith.constant 0 : i32
        %dma_start3A_82 = tpu.memref_slice %arg4[%mul3A_67, %dma_start3A_81] : memref<106496x64xf32, #tpu.memory_space<hbm>> -> memref<128x64xf32, #tpu.memory_space<hbm>>
        %dma_start3A_83 = arith.constant 0 : i32
        %dma_start3A_84 = tpu.memref_slice %arg4[%mul3A_67, %dma_start3A_83] : memref<106496x64xf32, #tpu.memory_space<hbm>> -> memref<128x64xf32, #tpu.memory_space<hbm>>
        %dma_start3A_85 = arith.constant 0 : i32
        %dma_start3A_86 = arith.constant 0 : i32
        %dma_start3A_87 = tpu.memref_slice %arg6[%run_scoped3A_68, %dma_start3A_85, %dma_start3A_86] : memref<2x128x64xf32, #tpu.memory_space<vmem>> -> memref<1x128x64xf32, #tpu.memory_space<vmem>>
        %dma_start3A_88 = tpu.memref_squeeze %dma_start3A_87 : memref<1x128x64xf32, #tpu.memory_space<vmem>> -> memref<128x64xf32, #tpu.memory_space<vmem>>
        tpu.enqueue_dma source(%dma_start3A_88 : memref<128x64xf32, #tpu.memory_space<vmem>>) target(%dma_start3A_84 : memref<128x64xf32, #tpu.memory_space<hbm>>) target_semaphore(%run_scoped3A_76 : memref<!tpu.dma_semaphore, #tpu.memory_space<semaphore_mem>>)
        %dma_wait3A_89 = arith.constant 0 : i32
        %dma_wait3A_90 = arith.constant 0 : i32
        %dma_wait3A_91 = tpu.memref_slice %arg6[%run_scoped3A_68, %dma_wait3A_89, %dma_wait3A_90] : memref<2x128x64xf32, #tpu.memory_space<vmem>> -> memref<1x128x64xf32, #tpu.memory_space<vmem>>
        %dma_wait3A_92 = tpu.memref_squeeze %dma_wait3A_91 : memref<1x128x64xf32, #tpu.memory_space<vmem>> -> memref<128x64xf32, #tpu.memory_space<vmem>>
        %dma_wait3A_93 = arith.constant 0 : i32
        %dma_wait3A_94 = tpu.memref_slice %arg4[%mul3A_67, %dma_wait3A_93] : memref<106496x64xf32, #tpu.memory_space<hbm>> -> memref<128x64xf32, #tpu.memory_space<hbm>>
        %dma_wait3A_95 = arith.constant 0 : i32
        %dma_wait3A_96 = tpu.memref_slice %arg4[%mul3A_67, %dma_wait3A_95] : memref<106496x64xf32, #tpu.memory_space<hbm>> -> memref<128x64xf32, #tpu.memory_space<hbm>>
        %dma_wait3A_97 = arith.constant 0 : i32
        %dma_wait3A_98 = arith.constant 0 : i32
        %dma_wait3A_99 = tpu.memref_slice %arg6[%run_scoped3A_68, %dma_wait3A_97, %dma_wait3A_98] : memref<2x128x64xf32, #tpu.memory_space<vmem>> -> memref<1x128x64xf32, #tpu.memory_space<vmem>>
        %dma_wait3A_100 = tpu.memref_squeeze %dma_wait3A_99 : memref<1x128x64xf32, #tpu.memory_space<vmem>> -> memref<128x64xf32, #tpu.memory_space<vmem>>
        tpu.wait_dma2 semaphore(%run_scoped3A_76 : memref<!tpu.dma_semaphore, #tpu.memory_space<semaphore_mem>>) src(%dma_wait3A_100 : memref<128x64xf32, #tpu.memory_space<vmem>>) dst(%dma_wait3A_96 : memref<128x64xf32, #tpu.memory_space<hbm>>)
        tpu.yield
      }) : () -> ()
      %add3A_69 = arith.constant 2 : i32
      %add3A_70 = arith.addi %add3A_53, %add3A_69 : i32
      %lt3A_71 = arith.constant 26 : i32
      %lt3A_72 = arith.cmpi slt, %add3A_70, %lt3A_71 : i32
      %convert_element_type3A_73 = arith.extui %lt3A_72 : i1 to i32
      %cond3A_74 = arith.constant 0 : i32
      %cond3A_75 = arith.cmpi ne, %convert_element_type3A_73, %cond3A_74 : i32
      scf.if %cond3A_75 {
        %add3A_76 = arith.constant 2 : i32
        %add3A_77 = arith.addi %add3A_53, %add3A_76 : i32
        %mul3A_78 = arith.constant 128 : i32
        %mul3A_79 = arith.muli %add3A_77, %mul3A_78 : i32
        %dma_start3A_80 = arith.constant 1 : i32
        %dma_start3A_81 = arith.constant 0 : i32
        %dma_start3A_82 = arith.constant 0 : i32
        %dma_start3A_83 = tpu.memref_slice %arg6[%dma_start3A_80, %dma_start3A_81, %dma_start3A_82] : memref<2x128x64xf32, #tpu.memory_space<vmem>> -> memref<1x128x64xf32, #tpu.memory_space<vmem>>
        %dma_start3A_84 = tpu.memref_squeeze %dma_start3A_83 : memref<1x128x64xf32, #tpu.memory_space<vmem>> -> memref<128x64xf32, #tpu.memory_space<vmem>>
        %dma_start3A_85 = tpu.memref_slice %arg5[%mul3A_79] : memref<3328xi32, #tpu.memory_space<vmem>> -> memref<128xi32, #tpu.memory_space<vmem>>
        %dma_start3A_86 = arith.constant 0 : i32
        %dma_start3A_87 = arith.constant 0 : i32
        %dma_start3A_88 = tpu.memref_slice %arg3[%dma_start3A_86, %dma_start3A_87] : memref<2600000x64xf32, #tpu.memory_space<hbm>> -> memref<2600000x64xf32, #tpu.memory_space<hbm>>
        tpu.enqueue_indirect_dma source(%dma_start3A_88 : memref<2600000x64xf32, #tpu.memory_space<hbm>>) target(%dma_start3A_84 : memref<128x64xf32, #tpu.memory_space<vmem>>) offsets(%dma_start3A_85 : memref<128xi32, #tpu.memory_space<vmem>>) semaphore(%arg8 : memref<!tpu.dma_semaphore, #tpu.memory_space<semaphore_mem>>)
      } else {
      }
    }
    %scan3A_27 = arith.constant 13 : i32
    return
  }
}

</mosaic_0001>

<sc_bundles>
// kernel: _gather_sc.3.cloned.1.call-start
scs
__scs_entry_jumppad:
0x0: {  	(pc) =	sbr.rel $0x88, $3  }
0x1: {  	(tag) =	ssettag $0x0;
	lr =	simm.s32 $0x1  }
0x2: {  	[smem:$0x3F9F] =	sst lr;
	_ =	strace $0xD0000000  }
0x3: {  	_ = 	snop  }
0x4: {  	_ = 	snop  }
0x5: {  	_ = 	snop  }
0x6: {  	_ = 	snop  }
0x7: {  	_ = 	snop  }
__scs_overlays_trampoline_lowered:
0x8: {  	[smem:$0x3FAE] =	sst s0  }
0x9: {  	[smem:$0x3FAF] =	sst s1  }
0xa: {  	[smem:$0x3FB0] =	sst s2  }
0xb: {  	[smem:$0x3FB1] =	sst s3  }
0xc: {  	[smem:$0x3FB2] =	sst s4  }
0xd: {  	[smem:$0x3FB3] =	sst s5  }
0xe: {  	[smem:$0x3FB4] =	sst s6  }
0xf: {  	[smem:$0x3FB5] =	sst s7  }
0x10: {  	[smem:$0x3FB6] =	sst s8  }
0x11: {  	[smem:$0x3FB7] =	sst s9;
	s0 =	simm.s32 @!p0 $0x0  }
0x12: {  	s1 =	sld [smem:$0x3F9D];
	s0 =	simm.s32 @p0 $0x1  }
0x13: {  	[smem:$0x3FB8] =	sst s0;
	s0 =	simm.s32 @!p1 $0x0  }
0x14: {  	s2 =	sld [smem:$0x3F9C];
	s0 =	simm.s32 @p1 $0x1  }
0x15: {  	[smem:$0x3FB9] =	sst s0;
	s0 =	simm.s32 @!p2 $0x0  }
0x16: {  	s3 =	sld [smem:$0x3FDB];
	s0 =	simm.s32 @p2 $0x1  }
0x17: {  	s4 =	simm.s32 $0x1BF5;
	[smem:$0x3FBB] =	sst s0  }
0x18: {  	s0 =	sld [smem:$0x3F9E];
	_ =	swait.ge [sflag:s4], $0x0  }
0x19: {  	s7 =	sld [smem:$0x3F9F]  }
0x1a: {  	s8 =	sadd.s32 $0xFFFFE003, lr  }
0x1b: {  	s9 =	sadd.s32 $0xFFFFFEF7, lr;
	s5 =	simm.s32 $0xFFFFFFFF;
	p2 =	slt.u32 s8, $0xFFFFF086  }
0x1c: {  	p1 =	slt.u32 s9, $0xF7A;
	s5 =	simm.s32 @!p2 $0x0  }
0x1d: {  	s5 =	simm.s32 @p1 $0x1;
	p0 =	seq.s32 s7, s2  }
0x1e: {  	s7 =	smul.u32 @!p0 $0xF7A, s2;
	p2 =	seq.s32 @!p0 s5, $0x0  }
0x1f: {  	s9 =	smul.u32 $0xF7A, s1;
	s8 =	simm.s32 @!p0 $0x1BF5;
	p2 =	por !p2, p0  }
0x20: {  	[sflag:s8] =	ssyncset.s32 @!p0 $0xFFFFF086;
	s6 =	sadd.s32 @!p0 s3, s7;
	s7 =	simm.s32 @!p0 $0x108  }
0x21: {  	s3 =	sadd.s32 s3, s9;
	s6 =	sadd.s32 @!p0 $0x88, s6;
	s7 =	simm.s32 @p2 $0x1082  }
0x22: {  	[simem:s7], [sflag:s8] =	dma.local @!p0 [hbm:s6], $0xF7A  }
0x23: {  	s9 =	sor.u32 $0xD0000000, s2;
	s6 =	simm.s32 $0x108;
	_ =	swait.ge @!p0 [sflag:s8], $0x0  }
0x24: {  	s3 =	sadd.s32 $0x88, s3;
	s6 =	simm.s32 @!p1 $0x1082;
	[sflag:s4] =	ssyncset.s32 $0xFFFFF086  }
0x25: {  	[simem:s6], [sflag:s4] =	dma.local [hbm:s3], $0xF7A  }
0x26: {  	[smem:$0x3F9F] =	sst s1;
	(tag) =	ssettag s2;
	_ =	strace s9  }
0x27: {  	s1 =	sld [smem:$0x3FAF]  }
0x28: {  	s2 =	sld [smem:$0x3FB0]  }
0x29: {  	s4 =	sld [smem:$0x3FB2]  }
0x2a: {  	p0 =	seq.s32 s5, $0x0;
	s5 =	sld [smem:$0x3FB3]  }
0x2b: {  	s6 =	sld [smem:$0x3FB4]  }
0x2c: {  	s7 =	sld [smem:$0x3FB5]  }
0x2d: {  	s3 =	simm.s32 $0x108;
	s8 =	sld [smem:$0x3FB6]  }
0x2e: {  	s3 =	simm.s32 @!p0 $0x1082;
	s9 =	sld [smem:$0x3FB7]  }
0x2f: {  	lr =	sadd.s32 s0, s3;
	s0 =	sld [smem:$0x3FAE]  }
0x30: {  	s3 =	sld [smem:$0x3FB1]  }
0x31: {  	[smem:$0x3FBA] =	sst s10  }
0x32: {  	s10 =	sld [smem:$0x3FB8];
	_ =	sdelay $0x3  }
0x33: {  	p0 =	seq.s32 s10, $0x1;
	s10 =	sld [smem:$0x3FBA];
	_ =	sdelay $0x3  }
0x34: {  	[smem:$0x3FBA] =	sst s10  }
0x35: {  	s10 =	sld [smem:$0x3FB9];
	_ =	sdelay $0x3  }
0x36: {  	p1 =	seq.s32 s10, $0x1;
	s10 =	sld [smem:$0x3FBA];
	_ =	sdelay $0x3  }
0x37: {  	[smem:$0x3FBA] =	sst s10  }
0x38: {  	s10 =	sld [smem:$0x3FBB]  }
0x39: {  	_ = 	snop;
	(pc) =	sbr.ind lr, $3  }
0x3a: {  	_ = 	snop  }
0x3b: {  	_ = 	snop  }
0x3c: {  	p2 =	seq.s32 s10, $0x1;
	s10 =	sld [smem:$0x3FBA]  }
0x3d: {  	_ =	shalt  }
0x3e: {  	_ =	shalt  }
0x3f: {  	_ =	shalt  }
0x40: {  	_ =	shalt  }
0x41: {  	_ =	shalt  }
0x42: {  	_ =	shalt  }
0x43: {  	_ =	shalt  }
0x44: {  	_ =	shalt  }
0x45: {  	_ =	shalt  }
0x46: {  	_ =	shalt  }
0x47: {  	_ =	shalt  }
0x48: {  	_ =	shalt  }
0x49: {  	_ =	shalt  }
0x4a: {  	_ =	shalt  }
0x4b: {  	_ =	shalt  }
0x4c: {  	_ =	shalt  }
0x4d: {  	_ =	shalt  }
0x4e: {  	_ =	shalt  }
0x4f: {  	_ =	shalt  }
0x50: {  	_ =	shalt  }
0x51: {  	_ =	shalt  }
0x52: {  	_ =	shalt  }
0x53: {  	_ =	shalt  }
0x54: {  	_ =	shalt  }
0x55: {  	_ =	shalt  }
0x56: {  	_ =	shalt  }
0x57: {  	_ =	shalt  }
0x58: {  	_ =	shalt  }
0x59: {  	_ =	shalt  }
0x5a: {  	_ =	shalt  }
0x5b: {  	_ =	shalt  }
0x5c: {  	_ =	shalt  }
0x5d: {  	_ =	shalt  }
0x5e: {  	_ =	shalt  }
0x5f: {  	_ =	shalt  }
0x60: {  	_ =	shalt  }
0x61: {  	_ =	shalt  }
0x62: {  	_ =	shalt  }
0x63: {  	_ =	shalt  }
0x64: {  	_ =	shalt  }
0x65: {  	_ =	shalt  }
0x66: {  	_ =	shalt  }
0x67: {  	_ =	shalt  }
0x68: {  	_ =	shalt  }
0x69: {  	_ =	shalt  }
0x6a: {  	_ =	shalt  }
0x6b: {  	_ =	shalt  }
0x6c: {  	_ =	shalt  }
0x6d: {  	_ =	shalt  }
0x6e: {  	_ =	shalt  }
0x6f: {  	_ =	shalt  }
0x70: {  	_ =	shalt  }
0x71: {  	_ =	shalt  }
0x72: {  	_ =	shalt  }
0x73: {  	_ =	shalt  }
0x74: {  	_ =	shalt  }
0x75: {  	_ =	shalt  }
0x76: {  	_ =	shalt  }
0x77: {  	_ =	shalt  }
0x78: {  	_ =	shalt  }
0x79: {  	_ =	shalt  }
0x7a: {  	_ =	shalt  }
0x7b: {  	_ =	shalt  }
0x7c: {  	_ =	shalt  }
0x7d: {  	_ =	shalt  }
0x7e: {  	_ =	shalt  }
0x7f: {  	_ =	shalt  }
0x80: {  	_ =	shalt  }
0x81: {  	_ =	shalt  }
0x82: {  	_ =	shalt  }
0x83: {  	_ =	shalt  }
0x84: {  	_ =	shalt  }
0x85: {  	_ =	shalt  }
0x86: {  	_ =	shalt  }
0x87: {  	_ =	shalt  }
.Lfunc_end0:
.L_simem_size_0:
called_computation_lowered:
.L_overlay_start_0:
0x88: {  	s2 =	sld [smem:$0x3FD9]  }
0x89: {  	s3 =	sld [smem:$0x3FFE];
	_ =	sdelay $0x1  }
0x8a: {  	s1 =	srdreg.scid  }
0x8b: {  	s0 =	sand.u32 $0x1, s1  }
0x8c: {  	s17 =	sshll.u32 s0, $0xA;
	s2 =	sadd.s32 s3, s2  }
0x8d: {  	s2 =	sadd.s32 s2, s17  }
0x8e: {  	[smem:$0x3FC6] =	sst s2  }
0x8f: {  	_ = 	snop  }
0x90: {  	s2 =	sld [smem:$0x3FC9]  }
0x91: {  	s18 =	sld [smem:$0x3FD0];
	(tm) =	ssettm $0x1  }
0x92: {  	s4 =	sld [smem:$0x3FFB];
	_ =	sdelay $0x3  }
0x93: {  	_ =	strace s4  }
0x94: {  	s4 =	sld [smem:$0x3FFC];
	_ =	sdelay $0x3  }
0x95: {  	_ =	strace s4  }
0x96: {  	s4 =	sld [smem:$0x3FFD];
	_ =	sdelay $0x3  }
0x97: {  	_ =	strace s4  }
0x98: {  	_ =	strace $0x8FFFFFFF  }
0x99: {  	s19 =	sld [smem:$0x3FDB];
	_ =	sdelay $0x1  }
0x9a: {  	s5 =	simm.s32 $_scs_section_size  }
0x9b: {  	s6 =	simm.s32 $_size__tile_overlayer_lowered;
	s7 =	simm.s32 $_tile_overlayer_lowered  }
0x9c: {  	s22 =	simm.s32 $0x1BFF;
	s21 =	sshll.u32 s7, $0x1;
	s4 =	sadd.s32 s5, s19  }
0x9d: {  	s8 =	simm.s32 $0x0;
	s20 =	sshll.u32 s6, $0x1;
	s6 =	sadd.s32 s21, s4  }
0x9e: {  	[timem:s8], [sflag:s22] =	dma.local [hbm:s6], s20  }
0x9f: {  	_ =	swait.ge [sflag:s22], s20  }
0xa0: {  	s5 =	ssub.s32 $0x0, s20;
	[sflag:s22] =	ssyncset.done $0x0  }
0xa1: {  	[sflag:s22] =	ssyncadd.s32 s5;
	_ =	sdelay $0x1  }
0xa2: {  	s23 =	simm.s32 $0x1B8B  }
0xa3: {  	_ =	swait.ge [sflag:s23], $0x1  }
0xa4: {  	[sflag:s23] =	ssyncset.done $0x0  }
0xa5: {  	s25 =	simm.s32 $0x1B8E;
	s24 =	sld [smem:$0x3FFE];
	[sflag:s23] =	ssyncadd.s32 $0xFFFFFFFF  }
0xa6: {  	s26 =	simm.s32 $execute0_lowered;
	[smem:$0x3FD2] =	sst s25  }
0xa7: {  	s6 =	sshll.u32 s26, $0x1;
	_ =	strace $0x80000046;
	[dreg:$0x1] =	wrdreg $0xFFFFFFFF  }
0xa8: {  	s28 =	simm.s32 $_size_execute0_lowered;
	s4 =	sadd.s32 s4, s6;
	[dreg:$0x0] =	wrdreg $0x0  }
0xa9: {  	s6 =	sshll.u32 s28, $0x1;
	[dreg:$0x2] =	wrdreg s4  }
0xaa: {  	[dreg:$0x3] =	wrdreg s6  }
0xab: {  	[dreg:$0x4] =	wrdreg $0xC0  }
0xac: {  	_ =	task [dreg:s8], $0x5FFFF  }
0xad: {  	[dreg:$0x1] =	wrdreg $0xFFFFFFFF  }
0xae: {  	[dreg:$0x0] =	wrdreg $0x60  }
0xaf: {  	[dreg:$0x2] =	wrdreg s2  }
0xb0: {  	[dreg:$0x3] =	wrdreg s24  }
0xb1: {  	[dreg:$0x4] =	wrdreg s18  }
0xb2: {  	[dreg:$0x5] =	wrdreg $0x9  }
0xb3: {  	_ =	task.clear_ibuf [dreg:s8], $0x6FFFF;
	_ =	strace $0x90000046  }
0xb4: {  	s29 =	simm.s32 $0x9;
	_ =	strace $0x80000048  }
0xb5: {  	_ =	swait.ge [sflag:s29], $0x1  }
0xb6: {  	[sflag:s29] =	ssyncadd.s32 $0xFFFFFFFF  }
0xb7: {  	_ =	strace $0x90000048  }
0xb8: {  	_ =	sfence  }
0xb9: {  	s30 =	sld [smem:$0x0];
	_ =	sdelay $0x2  }
0xba: {  	s31 =	sshll.u32 s1, $0xD;
	s1 =	sshrl.u32 s1, $0x2  }
0xbb: {  	s3 =	sand.u32 $0x4000, s31;
	s1 =	sadd.s32 s1, s30  }
0xbc: {  	s0 =	sor.u32 s3, s0;
	s1 =	sshll.u32 s1, $0x11  }
0xbd: {  	s0 =	sor.u32 s1, s0  }
0xbe: {  	s0 =	sadd.s32 $0x8F2B, s0  }
0xbf: {  	[sflag:s0] =	ssyncadd.remote.s32 $0x1  }
0xc0: {  	_ =	sfence.sel $0xFFFF  }
0xc1: {  	[dreg:$0x0] =	wrdreg $0xFFFFFFFF;
	(pc) =	sbr.abs _section_cstart, $3  }
0xc2: {  	[dreg:$0x1] =	wrdreg $0xFFFFFFFF  }
0xc3: {  	_ =	task.clear_ibuf [dreg:s8], $0x2FFFF;
	_ =	strace $0x9FFFFFFF  }
0xc4: {  	(tm) =	ssettm $0x7FFFFFFF  }
0xc5: {  	_ =	shalt  }
tec
execute0_lowered:
.L_overlay_start_1:
0x0: {  	(tag) =	ssettag $0x1  }
0x1: {  	s4 =	rddreg [dreg:$0x0];
	s1 =	srdreg.scid  }
0x2: {  	s0 =	stileid.u32;
	s3 =	rddreg [dreg:$0x1]  }
0x3: {  	s8 =	rddreg [dreg:$0x2];
	s2 =	simm.s32 $0x0;
	s13 =	simm.s32 $0x2D00  }
0x4: {  	s14 =	simm.s32 $0x1;
	s15 =	simm.s32 $0x2;
	s11 =	smul.u32 $0x34, s0  }
0x5: {  	s16 =	simm.s32 $0x0;
	s7 =	sand.u32 $0x1, s1;
	s30 =	smul.u32 $0xD000, s0  }
0x6: {  	s26 =	sshll.u32 s0, $0x1;
	s1 =	rddreg [dreg:$0x3];
	s29 =	smul.u32 $0x1A, s7  }
0x7: {  	[smem:$0x7FF] =	sst s2;
	s5 =	sor.u32 s7, s26;
	s12 =	smul.u32 $0x6800, s7  }
0x8: {  	s3 =	sadd.s32 $0x27AC800, s3;
	s9 =	ssub.s32 $0x2, s7;
	s6 =	smul.u32 $0x1A0, s5  }
0x9: {  	_ =	strace $0x80000047;
	s10 =	smul.u32 $0x6800, s5;
	s28 =	sshrl.u32 s9, $0x1  }
0xa: {  	s31 =	sadd.s32 s30, s8;
	s5 =	ssub.s32 s9, s28;
	s9 =	sadd.s32 s29, s11  }
0xb: {  	s11 =	simm.s32 $0x80;
	s4 =	sadd.s32 s4, s6;
	s10 =	sadd.s32 s8, s10  }
0xc: {  	s5 =	smax.u32 s5, $0x1;
	s9 =	sshll.u32 s9, $0xA;
	s6 =	sadd.s32 $0x6000, s10  }
0xd: {  	s7 =	sadd.s32 $0x6400, s10;
	s9 =	sadd.s32 s9, s8;
	s10 =	simm.s32 $0x3  }
0xe: {  	s8 =	sadd.s32 $0x400, s9;
	s9 =	sadd.s32 s12, s31;
	s12 =	simm.s32 $0xD00  }
.LBB2_1:
0xf: {  	[tilespmem:s2], [sflag:$0x3] =	stream.linear.gather [hbm4b:s4+s2], $0xD00, $0x38;
	[tilespmem:$0x4D00] =	vst v63  }
0x10: {  	_ =	swait.ge [sflag:s10], $0xD00  }
0x11: {  	[sflag:s10] =	ssyncset.done $0x0  }
0x12: {  	[sflag:s10] =	ssyncadd.s32 $0xFFFFF300  }
0x13: {  	[tilespmem:s12], [sflag:$0x1] =	stream.indirect.gather [hbm4b:s3+s11], $0x40, s2, s11, $0xb8;
	[tilespmem:$0x4D00] =	vst v63  }
0x14: {  	_ = 	snop  }
0x15: {  	[tilespmem:s13], [sflag:$0x2] =	stream.indirect.gather [hbm4b:s3+s11], $0x40, s11, s11, $0xb8;
	[tilespmem:$0x4D00] =	vst v63  }
0x16: {  	_ =	swait.ge [sflag:s14], $0x2000  }
0x17: {  	[sflag:s14] =	ssyncset.done $0x0  }
0x18: {  	s17 =	sadd.s32 $0x0, s9;
	[sflag:s14] =	ssyncadd.s32 $0xFFFFE000  }
0x19: {  	[hbm4b:s17+s2] =	stream.linear.scatter [tilespmem:s12], [sflag:$0x3], $0x2000, $0x38;
	[tilespmem:$0x4D00] =	vst v63  }
0x1a: {  	_ =	swait.ge [sflag:s10], $0x2000  }
0x1b: {  	[sflag:s10] =	ssyncset.done $0x0  }
0x1c: {  	s30 =	simm.s32 $0x100;
	[sflag:s10] =	ssyncadd.s32 $0xFFFFE000  }
0x1d: {  	[tilespmem:s12], [sflag:$0x1] =	stream.indirect.gather [hbm4b:s3+s11], $0x40, s30, s11, $0xb8;
	[tilespmem:$0x4D00] =	vst v63  }
0x1e: {  	_ =	swait.ge [sflag:s15], $0x2000  }
0x1f: {  	[sflag:s15] =	ssyncset.done $0x0  }
0x20: {  	s31 =	sadd.s32 $0x0, s8;
	[sflag:s15] =	ssyncadd.s32 $0xFFFFE000  }
0x21: {  	[hbm4b:s31+s2] =	stream.linear.scatter [tilespmem:s13], [sflag:$0x3], $0x2000, $0x38;
	[tilespmem:$0x4D00] =	vst v63  }
0x22: {  	_ =	swait.ge [sflag:s10], $0x2000  }
0x23: {  	s18 =	simm.s32 $0x800;
	[sflag:s10] =	ssyncset.done $0x0  }
0x24: {  	s19 =	simm.s32 $0x280;
	s17 =	simm.s32 $0x180;
	[sflag:s10] =	ssyncadd.s32 $0xFFFFE000  }
.LBB2_2:
0x25: {  	[tilespmem:s13], [sflag:$0x2] =	stream.indirect.gather [hbm4b:s3+s11], $0x40, s17, s11, $0xb8;
	[tilespmem:$0x4D00] =	vst v63  }
0x26: {  	s20 =	smov.u32 s18;
	s17 =	smov.u32 s19  }
0x27: {  	p0 =	sne.s32 s18, $0x5800;
	s18 =	sadd.s32 $0x800, s18;
	_ =	swait.ge [sflag:s14], $0x2000  }
0x28: {  	[sflag:s14] =	ssyncset.done $0x0  }
0x29: {  	s21 =	sadd.s32 s20, s9;
	[sflag:s14] =	ssyncadd.s32 $0xFFFFE000  }
0x2a: {  	[hbm4b:s21+s2] =	stream.linear.scatter [tilespmem:s12], [sflag:$0x3], $0x2000, $0x38;
	[tilespmem:$0x4D00] =	vst v63  }
0x2b: {  	_ =	swait.ge [sflag:s10], $0x2000  }
0x2c: {  	[sflag:s10] =	ssyncset.done $0x0  }
0x2d: {  	s21 =	sadd.s32 $0xFFFFFF80, s19;
	[sflag:s10] =	ssyncadd.s32 $0xFFFFE000  }
0x2e: {  	[tilespmem:s12], [sflag:$0x1] =	stream.indirect.gather [hbm4b:s3+s11], $0x40, s21, s11, $0xb8;
	[tilespmem:$0x4D00] =	vst v63  }
0x2f: {  	_ =	swait.ge [sflag:s15], $0x2000  }
0x30: {  	[sflag:s15] =	ssyncset.done $0x0  }
.Ltmp0:
0x31: {  	s20 =	sadd.s32 s20, s8;
	[sflag:s15] =	ssyncadd.s32 $0xFFFFE000;
	(pc) =	sbr.rel @p0 .LBB2_2-.Ltmp0, $4  }
0x32: {  	[hbm4b:s20+s2] =	stream.linear.scatter [tilespmem:s13], [sflag:$0x3], $0x2000, $0x38;
	[tilespmem:$0x4D00] =	vst v63  }
0x33: {  	_ =	swait.ge [sflag:s10], $0x2000  }
0x34: {  	[sflag:s10] =	ssyncset.done $0x0  }
0x35: {  	s19 =	sadd.s32 $0x100, s19;
	[sflag:s10] =	ssyncadd.s32 $0xFFFFE000  }
0x36: {  	[tilespmem:s13], [sflag:$0x2] =	stream.indirect.gather [hbm4b:s3+s11], $0x40, s17, s11, $0xb8;
	[tilespmem:$0x4D00] =	vst v63  }
0x37: {  	_ =	swait.ge [sflag:s14], $0x2000  }
0x38: {  	[sflag:s14] =	ssyncset.done $0x0  }
0x39: {  	[sflag:s14] =	ssyncadd.s32 $0xFFFFE000  }
0x3a: {  	[hbm4b:s6+s2] =	stream.linear.scatter [tilespmem:s12], [sflag:$0x3], $0x2000, $0x38;
	[tilespmem:$0x4D00] =	vst v63  }
0x3b: {  	_ =	swait.ge [sflag:s10], $0x2000  }
0x3c: {  	[sflag:s10] =	ssyncset.done $0x0  }
0x3d: {  	[sflag:s10] =	ssyncadd.s32 $0xFFFFE000  }
0x3e: {  	s16 =	sadd.s32 $0x1, s16;
	_ =	swait.ge [sflag:s15], $0x2000  }
0x3f: {  	p0 =	sne.s32 s16, s5;
	[sflag:s15] =	ssyncset.done $0x0  }
.Ltmp1:
0x40: {  	[sflag:s15] =	ssyncadd.s32 $0xFFFFE000;
	(pc) =	sbr.rel @p0 .LBB2_1-.Ltmp1, $4  }
0x41: {  	[hbm4b:s7+s2] =	stream.linear.scatter [tilespmem:s13], [sflag:$0x3], $0x2000, $0x38;
	[tilespmem:$0x4D00] =	vst v63  }
0x42: {  	_ =	swait.ge [sflag:s10], $0x2000  }
0x43: {  	[sflag:s10] =	ssyncset.done $0x0  }
0x44: {  	[sflag:s10] =	ssyncadd.s32 $0xFFFFE000  }
0x45: {  	_ =	sfence.sel $0x180000  }
0x46: {  	[bflag:$0x0] =	sbarrier.arrive $0xFFFF  }
0x47: {  	p0 =	sne.s32 s0, $0x0;
	_ =	strace $0x90000047  }
0x48: {  	s0 =	sadd.s32 @!p0 $0x100000, s1;
	[bflag:$0x2] =	sbarrier.arrive $0xFFFF  }
0x49: {  	[sflag:s0] =	ssyncadd.tile.s32 @!p0 $0x1;
	_ =	shalt  }
.Lfunc_end2:
_tile_overlayer_lowered:
.L_overlay_start_2:
0x4a: {  	(tag) =	ssettag $0x2  }
0x4b: {  	s0 =	rddreg [dreg:$0x0];
	s2 =	stileid.u32  }
0x4c: {  	s1 =	rddreg [dreg:$0x1];
	p0 =	sne.s32 s2, $0x0  }
0x4d: {  	s3 =	rddreg [dreg:$0x2];
	[bflag:$0x3] =	sbarrier.arrive $0xFFFF;
	s2 =	simm.s32 @!p0 $0x1C03  }
0x4e: {  	[timem:s3], [sflag:s2] =	dma.local @!p0 [hbm:s0], s1  }
0x4f: {  	s0 =	simm.s32 @!p0 $0x3  }
0x50: {  	_ =	swait.ge @!p0 [sflag:s0], s1  }
0x51: {  	s1 =	ssub.s32 @!p0 $0x0, s1;
	[sflag:s0] =	ssyncset.done @!p0 $0x0  }
0x52: {  	[sflag:s0] =	ssyncadd.s32 @!p0 s1  }
0x53: {  	[bflag:$0x3] =	sbarrier.arrive $0xFFFF  }
0x54: {  	_ =	shalt  }

</sc_bundles>
